<compile_context>
chip_gen: v7x
topology: tpu7x:2x2x1
jax: 0.10.2.dev20260603
libtpu: 0.0.44.dev20260713+nightly
codegen_flags: <defaults>
</compile_context>

<pallas_src>
import jax
import jax.numpy as jnp
from jax import lax
from jax.experimental import pallas as pl
from jax.experimental.pallas import tpu as pltpu
from jax.experimental.pallas import tpu_sc as plsc

NUM_HEADS = 8
N_GLOBAL = 3
SEQ_LEN = 67
TOTAL = NUM_HEADS * SEQ_LEN * SEQ_LEN
NC, NS, LANES = 2, 16, 16
NW = NC * NS
NR = 16
NR_LAST = SEQ_LEN - 3 * NR
VECS = (NR_LAST * SEQ_LEN + LANES - 1) // LANES

OFF_FE = 72
OFF_DB = 136
OFF_AB = 144
OFF_KB = 152
OFF_GB = 160
TAB_LEN = 1792


def _sc_body(tab_h, out_h, tab_v, chunk_v):
    wid = lax.axis_index("s") * NC + lax.axis_index("c")
    pltpu.sync_copy(tab_h, tab_v)

    h = wid >> 2
    q = wid & 3
    r0 = q * NR
    nrows = jnp.where(q < 3, NR, NR_LAST)
    start = h * 4489 + r0 * 67
    last = start + nrows * 67 - 1
    p0 = start + lax.iota(jnp.int32, LANES)
    zeros = jnp.zeros((LANES,), jnp.float32)
    zi = jnp.zeros((LANES,), jnp.int32)
    idx_db = zi + (OFF_DB + h)
    idx_ab = zi + (OFF_AB + h)
    idx_kb = zi + (OFF_KB + h)

    @plsc.parallel_loop(0, VECS, unroll=2)
    def _(v):
        p = jnp.minimum(p0 + (v << 4), last)
        rem = p - h * 4489
        i = (rem * 3913) >> 18
        j = rem - i * 67

        si = i - N_GLOBAL
        sj = j - N_GLOBAL
        ri = si >> 3
        fi = si & 7
        rj = sj >> 3
        fj = sj & 7
        dr = jnp.abs(ri - rj)
        df = jnp.abs(fi - fj)
        v_sq = (plsc.load_gather(tab_v, [(dr << 3) + h])
                + plsc.load_gather(tab_v, [(df << 3) + (OFF_FE + h)]))
        v_sq = v_sq + jnp.where(ri - fi == rj - fj,
                                plsc.load_gather(tab_v, [idx_db]), zeros)
        v_sq = v_sq + jnp.where(ri + fi == rj + fj,
                                plsc.load_gather(tab_v, [idx_ab]), zeros)
        v_sq = v_sq + jnp.where(dr * df == 2,
                                plsc.load_gather(tab_v, [idx_kb]), zeros)

        is_top = i < N_GLOBAL
        gmid = jnp.where(is_top, i, jnp.minimum(j, N_GLOBAL - 1))
        glast = jnp.where(is_top, j, i)
        v_glob = plsc.load_gather(
            tab_v, [h * 201 + gmid * 67 + (OFF_GB + glast)])

        in_sq = (i >= N_GLOBAL) & (j >= N_GLOBAL)
        plsc.store_scatter(chunk_v, [i - r0, j],
                           jnp.where(in_sq, v_sq, v_glob))

    @pl.when(q < 3)
    def _():
        pltpu.sync_copy(chunk_v.at[pl.ds(0, NR), :],
                        out_h.at[h, pl.ds(r0, NR)])

    @pl.when(q == 3)
    def _():
        pltpu.sync_copy(chunk_v, out_h.at[h, pl.ds(3 * NR, NR_LAST)])


def kernel(rank_embed, file_embed, diag_bias, antidiag_bias, knight_bias,
           global_bias, rank_diff, file_diff, same_diag, same_antidiag,
           knight_reach):
    z8 = jnp.zeros((8,), rank_embed.dtype)
    tab = jnp.concatenate([
        rank_embed.reshape(-1), z8,
        file_embed.reshape(-1),
        diag_bias, antidiag_bias, knight_bias,
        global_bias.reshape(-1),
        jnp.zeros((TAB_LEN - OFF_GB - NUM_HEADS * N_GLOBAL * SEQ_LEN,),
                  rank_embed.dtype),
    ])
    out = pl.kernel(
        _sc_body,
        out_type=jax.ShapeDtypeStruct((NUM_HEADS, SEQ_LEN, SEQ_LEN),
                                      jnp.float32),
        mesh=plsc.VectorSubcoreMesh(core_axis_name="c", subcore_axis_name="s",
                                    num_cores=NC, num_subcores=NS),
        compiler_params=pltpu.CompilerParams(needs_layout_passes=False),
        scratch_types=[
            pltpu.VMEM((TAB_LEN,), jnp.float32),
            pltpu.VMEM((NR_LAST, SEQ_LEN), jnp.float32),
        ],
    )(tab)
    return out[None]

# --- scband reference (transcript-rebuilt; emitter-appended) ---
"""Pipeline reference for scband-relative-position-bias-91259465105888 (READ-ONLY COPY).

The authoritative reference and input builder live on the scoring server;
editing this copy changes nothing except your own understanding.
"""

import jax, jax.numpy as jnp
import numpy as np

NUM_HEADS = 8
NUM_SQUARES = 64
N_GLOBAL = 3
SEQ_LEN = NUM_SQUARES + N_GLOBAL  # 67


def _chess_buffers():
    sq = np.arange(NUM_SQUARES)
    r = sq // 8
    f = sq % 8
    dr = np.abs(r[:, None] - r[None, :])
    df = np.abs(f[:, None] - f[None, :])
    rank_diff = dr.astype(np.int32)
    file_diff = df.astype(np.int32)
    same_diag = ((r - f)[:, None] == (r - f)[None, :]).astype(np.float32)
    same_antidiag = ((r + f)[:, None] == (r + f)[None, :]).astype(np.float32)
    knight_reach = (((dr == 2) & (df == 1)) | ((dr == 1) & (df == 2))).astype(np.float32)
    return rank_diff, file_diff, same_diag, same_antidiag, knight_reach


def setup_inputs(seed: int = 0) -> dict:
    key = jax.random.key(seed)
    k1, k2 = jax.random.split(key, 2)
    rank_diff, file_diff, same_diag, same_antidiag, knight_reach = _chess_buffers()
    return {
        "rank_embed": jax.random.normal(k1, (8, NUM_HEADS), dtype=jnp.float32),
        "file_embed": jax.random.normal(k2, (8, NUM_HEADS), dtype=jnp.float32),
        "diag_bias": jnp.zeros((NUM_HEADS,), dtype=jnp.float32),
        "antidiag_bias": jnp.zeros((NUM_HEADS,), dtype=jnp.float32),
        "knight_bias": jnp.zeros((NUM_HEADS,), dtype=jnp.float32),
        "global_bias": jnp.zeros((NUM_HEADS, N_GLOBAL, SEQ_LEN), dtype=jnp.float32),
        "rank_diff": jnp.asarray(rank_diff),
        "file_diff": jnp.asarray(file_diff),
        "same_diag": jnp.asarray(same_diag),
        "same_antidiag": jnp.asarray(same_antidiag),
        "knight_reach": jnp.asarray(knight_reach),
    }


def reference(rank_embed, file_embed, diag_bias, antidiag_bias, knight_bias, global_bias, rank_diff, file_diff, same_diag, same_antidiag, knight_reach):
    H = rank_embed.shape[1]
    g = global_bias.shape[1]
    seq_len = global_bias.shape[2]
    # Shaw-style relative position bias with chess topology features
    sq_bias = (
        jnp.take(rank_embed, rank_diff, axis=0)
        + jnp.take(file_embed, file_diff, axis=0)
        + same_diag[..., None] * diag_bias
        + same_antidiag[..., None] * antidiag_bias
        + knight_reach[..., None] * knight_bias
    )  # [64, 64, H]
    bias = jnp.zeros((H, seq_len, seq_len), dtype=rank_embed.dtype)
    bias = bias.at[:, g:, g:].set(jnp.transpose(sq_bias, (2, 0, 1)))
    bias = bias.at[:, :g, :].set(global_bias)
    bias = bias.at[:, g:, :g].set(jnp.transpose(global_bias[:, :, g:], (0, 2, 1)))
    return bias[None]

if __name__ == "__main__":
    import jax
    _d = setup_inputs()
    print(jax.jit(kernel)(*tuple(_d.values())))

</pallas_src>

<mosaic_0001>
#map = affine_map<(d0, d1) -> (0)>
#map1 = affine_map<(d0, d1) -> (0, 0, 0)>
module attributes {stable_mosaic.version = 14 : i64} {
  func.func @_sc_body(%arg0: i32, %arg1: i32, %arg2: memref<1792xf32, #tpu.memory_space<hbm>>, %arg3: memref<8x67x67xf32, #tpu.memory_space<hbm>>, %arg4: memref<1792xf32, #tpu.memory_space<vmem>>, %arg5: memref<19x67xf32, #tpu.memory_space<vmem>>) attributes {dimension_semantics = [#tpu.dimension_semantics<core_parallel>, #tpu.dimension_semantics<subcore_parallel>], iteration_bounds = array<i64: 2, 16>, scalar_prefetch = 0 : i64, scratch_operands = 2 : i64, tpu.core_type = #tpu.core_type<sc_vector_subcore>, window_params = [{transform_indices = #map}, {transform_indices = #map1}]} {
    %mul3A = arith.constant 2 : i32
    %mul3A_0 = arith.muli %arg1, %mul3A : i32
    %add3A = arith.addi %mul3A_0, %arg0 : i32
    "tpu.region"() ({
      %run_scoped3A = tpu.sem_alloc : memref<!tpu.dma_semaphore, #tpu.memory_space<semaphore_mem>>
      tpu.enqueue_dma source(%arg2 : memref<1792xf32, #tpu.memory_space<hbm>>) target(%arg4 : memref<1792xf32, #tpu.memory_space<vmem>>) target_semaphore(%run_scoped3A : memref<!tpu.dma_semaphore, #tpu.memory_space<semaphore_mem>>)
      tpu.wait_dma2 semaphore(%run_scoped3A : memref<!tpu.dma_semaphore, #tpu.memory_space<semaphore_mem>>) src(%arg2 : memref<1792xf32, #tpu.memory_space<hbm>>) dst(%arg4 : memref<1792xf32, #tpu.memory_space<vmem>>)
      tpu.yield
    }) : () -> ()
    %shift_right_arithmetic3A = arith.constant 2 : i32
    %shift_right_arithmetic3A_1 = arith.shrsi %add3A, %shift_right_arithmetic3A : i32
    %and3A = arith.constant 3 : i32
    %and3A_2 = arith.andi %add3A, %and3A : i32
    %mul3A_3 = arith.constant 16 : i32
    %mul3A_4 = arith.muli %and3A_2, %mul3A_3 : i32
    %lt3A = arith.constant 3 : i32
    %lt3A_5 = arith.cmpi slt, %and3A_2, %lt3A : i32
    %jit3A = arith.constant 16 : i32
    %jit3A_6 = arith.constant 19 : i32
    %select_n3A = arith.select %lt3A_5, %jit3A, %jit3A_6 : i32
    %mul3A_7 = arith.constant 4489 : i32
    %mul3A_8 = arith.muli %shift_right_arithmetic3A_1, %mul3A_7 : i32
    %mul3A_9 = arith.constant 67 : i32
    %mul3A_10 = arith.muli %mul3A_4, %mul3A_9 : i32
    %add3A_11 = arith.addi %mul3A_8, %mul3A_10 : i32
    %mul3A_12 = arith.constant 67 : i32
    %mul3A_13 = arith.muli %select_n3A, %mul3A_12 : i32
    %add3A_14 = arith.addi %add3A_11, %mul3A_13 : i32
    %sub3A = arith.constant 1 : i32
    %sub3A_15 = arith.subi %add3A_14, %sub3A : i32
    %iota3A = tpu.iota {dimensions = array<i32: 0>} : vector<16xi32>
    %add3A_16 = vector.broadcast %add3A_11 : i32 to vector<16xi32>
    %add3A_17 = arith.addi %add3A_16, %iota3A : vector<16xi32>
    %broadcast_in_dim3A = arith.constant 0.000000e+00 : f32
    %broadcast_in_dim3A_18 = vector.broadcast %broadcast_in_dim3A : f32 to vector<16xf32>
    %broadcast_in_dim3A_19 = arith.constant 0 : i32
    %broadcast_in_dim3A_20 = vector.broadcast %broadcast_in_dim3A_19 : i32 to vector<16xi32>
    %add3A_21 = arith.constant 136 : i32
    %add3A_22 = arith.addi %add3A_21, %shift_right_arithmetic3A_1 : i32
    %add3A_23 = vector.broadcast %add3A_22 : i32 to vector<16xi32>
    %add3A_24 = arith.addi %broadcast_in_dim3A_20, %add3A_23 : vector<16xi32>
    %add3A_25 = arith.constant 144 : i32
    %add3A_26 = arith.addi %add3A_25, %shift_right_arithmetic3A_1 : i32
    %add3A_27 = vector.broadcast %add3A_26 : i32 to vector<16xi32>
    %add3A_28 = arith.addi %broadcast_in_dim3A_20, %add3A_27 : vector<16xi32>
    %add3A_29 = arith.constant 152 : i32
    %add3A_30 = arith.addi %add3A_29, %shift_right_arithmetic3A_1 : i32
    %add3A_31 = vector.broadcast %add3A_30 : i32 to vector<16xi32>
    %add3A_32 = arith.addi %broadcast_in_dim3A_20, %add3A_31 : vector<16xi32>
    %parallel_loop3A = arith.constant 0 : i32
    %parallel_loop3A_33 = arith.constant 80 : i32
    %parallel_loop3A_34 = arith.constant 1 : i32
    scf.for %parallel_loop3A_42 = %parallel_loop3A to %parallel_loop3A_33 step %parallel_loop3A_34  : i32 {
      %parallel_loop3A_43 = arith.constant 4 : i32
      %parallel_loop3A_44 = arith.shli %parallel_loop3A_42, %parallel_loop3A_43 : i32
      %parallel_loop3A_45 = vector.broadcast %parallel_loop3A_44 : i32 to vector<16xi32>
      %parallel_loop3A_46 = arith.addi %add3A_17, %parallel_loop3A_45 : vector<16xi32>
      %parallel_loop3A_47 = vector.broadcast %sub3A_15 : i32 to vector<16xi32>
      %parallel_loop3A_48 = arith.minsi %parallel_loop3A_46, %parallel_loop3A_47 : vector<16xi32>
      %parallel_loop3A_49 = arith.constant 4489 : i32
      %parallel_loop3A_50 = arith.muli %shift_right_arithmetic3A_1, %parallel_loop3A_49 : i32
      %parallel_loop3A_51 = vector.broadcast %parallel_loop3A_50 : i32 to vector<16xi32>
      %parallel_loop3A_52 = arith.subi %parallel_loop3A_48, %parallel_loop3A_51 : vector<16xi32>
      %parallel_loop3A_53 = arith.constant 3913 : i32
      %parallel_loop3A_54 = vector.broadcast %parallel_loop3A_53 : i32 to vector<16xi32>
      %parallel_loop3A_55 = arith.muli %parallel_loop3A_52, %parallel_loop3A_54 : vector<16xi32>
      %parallel_loop3A_56 = arith.constant 18 : i32
      %parallel_loop3A_57 = vector.broadcast %parallel_loop3A_56 : i32 to vector<16xi32>
      %parallel_loop3A_58 = arith.shrsi %parallel_loop3A_55, %parallel_loop3A_57 : vector<16xi32>
      %parallel_loop3A_59 = arith.constant 67 : i32
      %parallel_loop3A_60 = vector.broadcast %parallel_loop3A_59 : i32 to vector<16xi32>
      %parallel_loop3A_61 = arith.muli %parallel_loop3A_58, %parallel_loop3A_60 : vector<16xi32>
      %parallel_loop3A_62 = arith.subi %parallel_loop3A_52, %parallel_loop3A_61 : vector<16xi32>
      %parallel_loop3A_63 = arith.constant 3 : i32
      %parallel_loop3A_64 = vector.broadcast %parallel_loop3A_63 : i32 to vector<16xi32>
      %parallel_loop3A_65 = arith.subi %parallel_loop3A_58, %parallel_loop3A_64 : vector<16xi32>
      %parallel_loop3A_66 = arith.constant 3 : i32
      %parallel_loop3A_67 = vector.broadcast %parallel_loop3A_66 : i32 to vector<16xi32>
      %parallel_loop3A_68 = arith.subi %parallel_loop3A_62, %parallel_loop3A_67 : vector<16xi32>
      %parallel_loop3A_69 = arith.constant 3 : i32
      %parallel_loop3A_70 = vector.broadcast %parallel_loop3A_69 : i32 to vector<16xi32>
      %parallel_loop3A_71 = arith.shrsi %parallel_loop3A_65, %parallel_loop3A_70 : vector<16xi32>
      %parallel_loop3A_72 = arith.constant 7 : i32
      %parallel_loop3A_73 = vector.broadcast %parallel_loop3A_72 : i32 to vector<16xi32>
      %parallel_loop3A_74 = arith.andi %parallel_loop3A_65, %parallel_loop3A_73 : vector<16xi32>
      %parallel_loop3A_75 = arith.constant 3 : i32
      %parallel_loop3A_76 = vector.broadcast %parallel_loop3A_75 : i32 to vector<16xi32>
      %parallel_loop3A_77 = arith.shrsi %parallel_loop3A_68, %parallel_loop3A_76 : vector<16xi32>
      %parallel_loop3A_78 = arith.constant 7 : i32
      %parallel_loop3A_79 = vector.broadcast %parallel_loop3A_78 : i32 to vector<16xi32>
      %parallel_loop3A_80 = arith.andi %parallel_loop3A_68, %parallel_loop3A_79 : vector<16xi32>
      %parallel_loop3A_81 = arith.subi %parallel_loop3A_71, %parallel_loop3A_77 : vector<16xi32>
      %parallel_loop3A_82 = math.absi %parallel_loop3A_81 : vector<16xi32>
      %parallel_loop3A_83 = arith.subi %parallel_loop3A_74, %parallel_loop3A_80 : vector<16xi32>
      %parallel_loop3A_84 = math.absi %parallel_loop3A_83 : vector<16xi32>
      %parallel_loop3A_85 = arith.constant 3 : i32
      %parallel_loop3A_86 = vector.broadcast %parallel_loop3A_85 : i32 to vector<16xi32>
      %parallel_loop3A_87 = arith.shli %parallel_loop3A_82, %parallel_loop3A_86 : vector<16xi32>
      %parallel_loop3A_88 = vector.broadcast %shift_right_arithmetic3A_1 : i32 to vector<16xi32>
      %parallel_loop3A_89 = arith.addi %parallel_loop3A_87, %parallel_loop3A_88 : vector<16xi32>
      %parallel_loop3A_90 = tpu.vector_load_idx %arg4[%parallel_loop3A_89] : memref<1792xf32, #tpu.memory_space<vmem>>[vector<16xi32>], vector<16xf32>,
      %parallel_loop3A_91 = arith.constant 3 : i32
      %parallel_loop3A_92 = vector.broadcast %parallel_loop3A_91 : i32 to vector<16xi32>
      %parallel_loop3A_93 = arith.shli %parallel_loop3A_84, %parallel_loop3A_92 : vector<16xi32>
      %parallel_loop3A_94 = arith.constant 72 : i32
      %parallel_loop3A_95 = arith.addi %parallel_loop3A_94, %shift_right_arithmetic3A_1 : i32
      %parallel_loop3A_96 = vector.broadcast %parallel_loop3A_95 : i32 to vector<16xi32>
      %parallel_loop3A_97 = arith.addi %parallel_loop3A_93, %parallel_loop3A_96 : vector<16xi32>
      %parallel_loop3A_98 = tpu.vector_load_idx %arg4[%parallel_loop3A_97] : memref<1792xf32, #tpu.memory_space<vmem>>[vector<16xi32>], vector<16xf32>,
      %parallel_loop3A_99 = arith.addf %parallel_loop3A_90, %parallel_loop3A_98 : vector<16xf32>
      %parallel_loop3A_100 = arith.subi %parallel_loop3A_71, %parallel_loop3A_74 : vector<16xi32>
      %parallel_loop3A_101 = arith.subi %parallel_loop3A_77, %parallel_loop3A_80 : vector<16xi32>
      %parallel_loop3A_102 = arith.cmpi eq, %parallel_loop3A_100, %parallel_loop3A_101 : vector<16xi32>
      %parallel_loop3A_103 = tpu.vector_load_idx %arg4[%add3A_24] : memref<1792xf32, #tpu.memory_space<vmem>>[vector<16xi32>], vector<16xf32>,
      %parallel_loop3A_104 = arith.select %parallel_loop3A_102, %parallel_loop3A_103, %broadcast_in_dim3A_18 : vector<16xi1>, vector<16xf32>
      %parallel_loop3A_105 = arith.addf %parallel_loop3A_99, %parallel_loop3A_104 : vector<16xf32>
      %parallel_loop3A_106 = arith.addi %parallel_loop3A_71, %parallel_loop3A_74 : vector<16xi32>
      %parallel_loop3A_107 = arith.addi %parallel_loop3A_77, %parallel_loop3A_80 : vector<16xi32>
      %parallel_loop3A_108 = arith.cmpi eq, %parallel_loop3A_106, %parallel_loop3A_107 : vector<16xi32>
      %parallel_loop3A_109 = tpu.vector_load_idx %arg4[%add3A_28] : memref<1792xf32, #tpu.memory_space<vmem>>[vector<16xi32>], vector<16xf32>,
      %parallel_loop3A_110 = arith.select %parallel_loop3A_108, %parallel_loop3A_109, %broadcast_in_dim3A_18 : vector<16xi1>, vector<16xf32>
      %parallel_loop3A_111 = arith.addf %parallel_loop3A_105, %parallel_loop3A_110 : vector<16xf32>
      %parallel_loop3A_112 = arith.muli %parallel_loop3A_82, %parallel_loop3A_84 : vector<16xi32>
      %parallel_loop3A_113 = arith.constant 2 : i32
      %parallel_loop3A_114 = vector.broadcast %parallel_loop3A_113 : i32 to vector<16xi32>
      %parallel_loop3A_115 = arith.cmpi eq, %parallel_loop3A_112, %parallel_loop3A_114 : vector<16xi32>
      %parallel_loop3A_116 = tpu.vector_load_idx %arg4[%add3A_32] : memref<1792xf32, #tpu.memory_space<vmem>>[vector<16xi32>], vector<16xf32>,
      %parallel_loop3A_117 = arith.select %parallel_loop3A_115, %parallel_loop3A_116, %broadcast_in_dim3A_18 : vector<16xi1>, vector<16xf32>
      %parallel_loop3A_118 = arith.addf %parallel_loop3A_111, %parallel_loop3A_117 : vector<16xf32>
      %parallel_loop3A_119 = arith.constant 3 : i32
      %parallel_loop3A_120 = vector.broadcast %parallel_loop3A_119 : i32 to vector<16xi32>
      %parallel_loop3A_121 = arith.cmpi slt, %parallel_loop3A_58, %parallel_loop3A_120 : vector<16xi32>
      %parallel_loop3A_122 = arith.constant 2 : i32
      %parallel_loop3A_123 = vector.broadcast %parallel_loop3A_122 : i32 to vector<16xi32>
      %parallel_loop3A_124 = arith.minsi %parallel_loop3A_62, %parallel_loop3A_123 : vector<16xi32>
      %parallel_loop3A_125 = arith.select %parallel_loop3A_121, %parallel_loop3A_58, %parallel_loop3A_124 : vector<16xi1>, vector<16xi32>
      %parallel_loop3A_126 = arith.select %parallel_loop3A_121, %parallel_loop3A_62, %parallel_loop3A_58 : vector<16xi1>, vector<16xi32>
      %parallel_loop3A_127 = arith.constant 201 : i32
      %parallel_loop3A_128 = arith.muli %shift_right_arithmetic3A_1, %parallel_loop3A_127 : i32
      %parallel_loop3A_129 = arith.constant 67 : i32
      %parallel_loop3A_130 = vector.broadcast %parallel_loop3A_129 : i32 to vector<16xi32>
      %parallel_loop3A_131 = arith.muli %parallel_loop3A_125, %parallel_loop3A_130 : vector<16xi32>
      %parallel_loop3A_132 = vector.broadcast %parallel_loop3A_128 : i32 to vector<16xi32>
      %parallel_loop3A_133 = arith.addi %parallel_loop3A_132, %parallel_loop3A_131 : vector<16xi32>
      %parallel_loop3A_134 = arith.constant 160 : i32
      %parallel_loop3A_135 = vector.broadcast %parallel_loop3A_134 : i32 to vector<16xi32>
      %parallel_loop3A_136 = arith.addi %parallel_loop3A_135, %parallel_loop3A_126 : vector<16xi32>
      %parallel_loop3A_137 = arith.addi %parallel_loop3A_133, %parallel_loop3A_136 : vector<16xi32>
      %parallel_loop3A_138 = tpu.vector_load_idx %arg4[%parallel_loop3A_137] : memref<1792xf32, #tpu.memory_space<vmem>>[vector<16xi32>], vector<16xf32>,
      %parallel_loop3A_139 = arith.constant 3 : i32
      %parallel_loop3A_140 = vector.broadcast %parallel_loop3A_139 : i32 to vector<16xi32>
      %parallel_loop3A_141 = arith.cmpi sge, %parallel_loop3A_58, %parallel_loop3A_140 : vector<16xi32>
      %parallel_loop3A_142 = arith.constant 3 : i32
      %parallel_loop3A_143 = vector.broadcast %parallel_loop3A_142 : i32 to vector<16xi32>
      %parallel_loop3A_144 = arith.cmpi sge, %parallel_loop3A_62, %parallel_loop3A_143 : vector<16xi32>
      %parallel_loop3A_145 = arith.andi %parallel_loop3A_141, %parallel_loop3A_144 : vector<16xi1>
      %parallel_loop3A_146 = vector.broadcast %mul3A_4 : i32 to vector<16xi32>
      %parallel_loop3A_147 = arith.subi %parallel_loop3A_58, %parallel_loop3A_146 : vector<16xi32>
      %parallel_loop3A_148 = arith.select %parallel_loop3A_145, %parallel_loop3A_118, %parallel_loop3A_138 : vector<16xi1>, vector<16xf32>
      tpu.vector_store_idx %arg5[%parallel_loop3A_147, %parallel_loop3A_62], %parallel_loop3A_148 : memref<19x67xf32, #tpu.memory_space<vmem>>[vector<16xi32>, vector<16xi32>], vector<16xf32>,
    } {sc.loop_unroll_factor = 2 : i64, sc.parallel_access}
    %lt3A_35 = arith.constant 3 : i32
    %lt3A_36 = arith.cmpi slt, %and3A_2, %lt3A_35 : i32
    %convert_element_type3A = arith.extui %lt3A_36 : i1 to i32
    %cond3A = arith.constant 0 : i32
    %cond3A_37 = arith.cmpi ne, %convert_element_type3A, %cond3A : i32
    scf.if %cond3A_37 {
      "tpu.region"() ({
        %run_scoped3A = tpu.sem_alloc : memref<!tpu.dma_semaphore, #tpu.memory_space<semaphore_mem>>
        %dma_start3A = arith.constant 0 : i32
        %dma_start3A_42 = arith.constant 0 : i32
        %dma_start3A_43 = tpu.memref_slice %arg5[%dma_start3A, %dma_start3A_42] : memref<19x67xf32, #tpu.memory_space<vmem>> -> memref<16x67xf32, #tpu.memory_space<vmem>>
        %dma_start3A_44 = arith.constant 0 : i32
        %dma_start3A_45 = tpu.memref_slice %arg3[%shift_right_arithmetic3A_1, %mul3A_4, %dma_start3A_44] : memref<8x67x67xf32, #tpu.memory_space<hbm>> -> memref<1x16x67xf32, #tpu.memory_space<hbm>>
        %dma_start3A_46 = tpu.memref_squeeze %dma_start3A_45 : memref<1x16x67xf32, #tpu.memory_space<hbm>> -> memref<16x67xf32, #tpu.memory_space<hbm>>
        %dma_start3A_47 = arith.constant 0 : i32
        %dma_start3A_48 = tpu.memref_slice %arg3[%shift_right_arithmetic3A_1, %mul3A_4, %dma_start3A_47] : memref<8x67x67xf32, #tpu.memory_space<hbm>> -> memref<1x16x67xf32, #tpu.memory_space<hbm>>
        %dma_start3A_49 = tpu.memref_squeeze %dma_start3A_48 : memref<1x16x67xf32, #tpu.memory_space<hbm>> -> memref<16x67xf32, #tpu.memory_space<hbm>>
        %dma_start3A_50 = arith.constant 0 : i32
        %dma_start3A_51 = arith.constant 0 : i32
        %dma_start3A_52 = tpu.memref_slice %arg5[%dma_start3A_50, %dma_start3A_51] : memref<19x67xf32, #tpu.memory_space<vmem>> -> memref<16x67xf32, #tpu.memory_space<vmem>>
        tpu.enqueue_dma source(%dma_start3A_52 : memref<16x67xf32, #tpu.memory_space<vmem>>) target(%dma_start3A_49 : memref<16x67xf32, #tpu.memory_space<hbm>>) target_semaphore(%run_scoped3A : memref<!tpu.dma_semaphore, #tpu.memory_space<semaphore_mem>>)
        %dma_wait3A = arith.constant 0 : i32
        %dma_wait3A_53 = arith.constant 0 : i32
        %dma_wait3A_54 = tpu.memref_slice %arg5[%dma_wait3A, %dma_wait3A_53] : memref<19x67xf32, #tpu.memory_space<vmem>> -> memref<16x67xf32, #tpu.memory_space<vmem>>
        %dma_wait3A_55 = arith.constant 0 : i32
        %dma_wait3A_56 = tpu.memref_slice %arg3[%shift_right_arithmetic3A_1, %mul3A_4, %dma_wait3A_55] : memref<8x67x67xf32, #tpu.memory_space<hbm>> -> memref<1x16x67xf32, #tpu.memory_space<hbm>>
        %dma_wait3A_57 = tpu.memref_squeeze %dma_wait3A_56 : memref<1x16x67xf32, #tpu.memory_space<hbm>> -> memref<16x67xf32, #tpu.memory_space<hbm>>
        %dma_wait3A_58 = arith.constant 0 : i32
        %dma_wait3A_59 = tpu.memref_slice %arg3[%shift_right_arithmetic3A_1, %mul3A_4, %dma_wait3A_58] : memref<8x67x67xf32, #tpu.memory_space<hbm>> -> memref<1x16x67xf32, #tpu.memory_space<hbm>>
        %dma_wait3A_60 = tpu.memref_squeeze %dma_wait3A_59 : memref<1x16x67xf32, #tpu.memory_space<hbm>> -> memref<16x67xf32, #tpu.memory_space<hbm>>
        %dma_wait3A_61 = arith.constant 0 : i32
        %dma_wait3A_62 = arith.constant 0 : i32
        %dma_wait3A_63 = tpu.memref_slice %arg5[%dma_wait3A_61, %dma_wait3A_62] : memref<19x67xf32, #tpu.memory_space<vmem>> -> memref<16x67xf32, #tpu.memory_space<vmem>>
        tpu.wait_dma2 semaphore(%run_scoped3A : memref<!tpu.dma_semaphore, #tpu.memory_space<semaphore_mem>>) src(%dma_wait3A_63 : memref<16x67xf32, #tpu.memory_space<vmem>>) dst(%dma_wait3A_60 : memref<16x67xf32, #tpu.memory_space<hbm>>)
        tpu.yield
      }) : () -> ()
    } else {
    }
    %eq3A = arith.constant 3 : i32
    %eq3A_38 = arith.cmpi eq, %and3A_2, %eq3A : i32
    %convert_element_type3A_39 = arith.extui %eq3A_38 : i1 to i32
    %cond3A_40 = arith.constant 0 : i32
    %cond3A_41 = arith.cmpi ne, %convert_element_type3A_39, %cond3A_40 : i32
    scf.if %cond3A_41 {
      "tpu.region"() ({
        %run_scoped3A = tpu.sem_alloc : memref<!tpu.dma_semaphore, #tpu.memory_space<semaphore_mem>>
        %dma_start3A = arith.constant 48 : i32
        %dma_start3A_42 = arith.constant 0 : i32
        %dma_start3A_43 = tpu.memref_slice %arg3[%shift_right_arithmetic3A_1, %dma_start3A, %dma_start3A_42] : memref<8x67x67xf32, #tpu.memory_space<hbm>> -> memref<1x19x67xf32, #tpu.memory_space<hbm>>
        %dma_start3A_44 = tpu.memref_squeeze %dma_start3A_43 : memref<1x19x67xf32, #tpu.memory_space<hbm>> -> memref<19x67xf32, #tpu.memory_space<hbm>>
        %dma_start3A_45 = arith.constant 48 : i32
        %dma_start3A_46 = arith.constant 0 : i32
        %dma_start3A_47 = tpu.memref_slice %arg3[%shift_right_arithmetic3A_1, %dma_start3A_45, %dma_start3A_46] : memref<8x67x67xf32, #tpu.memory_space<hbm>> -> memref<1x19x67xf32, #tpu.memory_space<hbm>>
        %dma_start3A_48 = tpu.memref_squeeze %dma_start3A_47 : memref<1x19x67xf32, #tpu.memory_space<hbm>> -> memref<19x67xf32, #tpu.memory_space<hbm>>
        tpu.enqueue_dma source(%arg5 : memref<19x67xf32, #tpu.memory_space<vmem>>) target(%dma_start3A_48 : memref<19x67xf32, #tpu.memory_space<hbm>>) target_semaphore(%run_scoped3A : memref<!tpu.dma_semaphore, #tpu.memory_space<semaphore_mem>>)
        %dma_wait3A = arith.constant 48 : i32
        %dma_wait3A_49 = arith.constant 0 : i32
        %dma_wait3A_50 = tpu.memref_slice %arg3[%shift_right_arithmetic3A_1, %dma_wait3A, %dma_wait3A_49] : memref<8x67x67xf32, #tpu.memory_space<hbm>> -> memref<1x19x67xf32, #tpu.memory_space<hbm>>
        %dma_wait3A_51 = tpu.memref_squeeze %dma_wait3A_50 : memref<1x19x67xf32, #tpu.memory_space<hbm>> -> memref<19x67xf32, #tpu.memory_space<hbm>>
        %dma_wait3A_52 = arith.constant 48 : i32
        %dma_wait3A_53 = arith.constant 0 : i32
        %dma_wait3A_54 = tpu.memref_slice %arg3[%shift_right_arithmetic3A_1, %dma_wait3A_52, %dma_wait3A_53] : memref<8x67x67xf32, #tpu.memory_space<hbm>> -> memref<1x19x67xf32, #tpu.memory_space<hbm>>
        %dma_wait3A_55 = tpu.memref_squeeze %dma_wait3A_54 : memref<1x19x67xf32, #tpu.memory_space<hbm>> -> memref<19x67xf32, #tpu.memory_space<hbm>>
        tpu.wait_dma2 semaphore(%run_scoped3A : memref<!tpu.dma_semaphore, #tpu.memory_space<semaphore_mem>>) src(%arg5 : memref<19x67xf32, #tpu.memory_space<vmem>>) dst(%dma_wait3A_55 : memref<19x67xf32, #tpu.memory_space<hbm>>)
        tpu.yield
      }) : () -> ()
    } else {
    }
    return
  }
}

</mosaic_0001>

<sc_bundles>
// kernel: kernel.3.cloned.1.call-start
scs
__scs_entry_jumppad:
0x0: {  	(pc) =	sbr.rel $0x88, $3  }
0x1: {  	(tag) =	ssettag $0x0;
	lr =	simm.s32 $0x1  }
0x2: {  	[smem:$0x3F9B] =	sst lr;
	_ =	strace $0xD0000000  }
0x3: {  	_ = 	snop  }
0x4: {  	_ = 	snop  }
0x5: {  	_ = 	snop  }
0x6: {  	_ = 	snop  }
0x7: {  	_ = 	snop  }
__scs_overlays_trampoline_lowered:
0x8: {  	[smem:$0x3FAA] =	sst s0  }
0x9: {  	[smem:$0x3FAB] =	sst s1  }
0xa: {  	[smem:$0x3FAC] =	sst s2  }
0xb: {  	[smem:$0x3FAD] =	sst s3  }
0xc: {  	[smem:$0x3FAE] =	sst s4  }
0xd: {  	[smem:$0x3FAF] =	sst s5  }
0xe: {  	[smem:$0x3FB0] =	sst s6  }
0xf: {  	[smem:$0x3FB1] =	sst s7  }
0x10: {  	[smem:$0x3FB2] =	sst s8  }
0x11: {  	[smem:$0x3FB3] =	sst s9;
	s0 =	simm.s32 @!p0 $0x0  }
0x12: {  	s1 =	sld [smem:$0x3F99];
	s0 =	simm.s32 @p0 $0x1  }
0x13: {  	[smem:$0x3FB4] =	sst s0;
	s0 =	simm.s32 @!p1 $0x0  }
0x14: {  	s2 =	sld [smem:$0x3F98];
	s0 =	simm.s32 @p1 $0x1  }
0x15: {  	[smem:$0x3FB5] =	sst s0;
	s0 =	simm.s32 @!p2 $0x0  }
0x16: {  	s3 =	sld [smem:$0x3FDB];
	s0 =	simm.s32 @p2 $0x1  }
0x17: {  	s4 =	simm.s32 $0x1BF5;
	[smem:$0x3FB7] =	sst s0  }
0x18: {  	s0 =	sld [smem:$0x3F9A];
	_ =	swait.ge [sflag:s4], $0x0  }
0x19: {  	s7 =	sld [smem:$0x3F9B]  }
0x1a: {  	s8 =	sadd.s32 $0xFFFFE003, lr  }
0x1b: {  	s9 =	sadd.s32 $0xFFFFFEF7, lr;
	s5 =	simm.s32 $0xFFFFFFFF;
	p2 =	slt.u32 s8, $0xFFFFF086  }
0x1c: {  	p1 =	slt.u32 s9, $0xF7A;
	s5 =	simm.s32 @!p2 $0x0  }
0x1d: {  	s5 =	simm.s32 @p1 $0x1;
	p0 =	seq.s32 s7, s2  }
0x1e: {  	s7 =	smul.u32 @!p0 $0xF7A, s2;
	p2 =	seq.s32 @!p0 s5, $0x0  }
0x1f: {  	s9 =	smul.u32 $0xF7A, s1;
	s8 =	simm.s32 @!p0 $0x1BF5;
	p2 =	por !p2, p0  }
0x20: {  	[sflag:s8] =	ssyncset.s32 @!p0 $0xFFFFF086;
	s6 =	sadd.s32 @!p0 s3, s7;
	s7 =	simm.s32 @!p0 $0x108  }
0x21: {  	s3 =	sadd.s32 s3, s9;
	s6 =	sadd.s32 @!p0 $0x88, s6;
	s7 =	simm.s32 @p2 $0x1082  }
0x22: {  	[simem:s7], [sflag:s8] =	dma.local @!p0 [hbm:s6], $0xF7A  }
0x23: {  	s9 =	sor.u32 $0xD0000000, s2;
	s6 =	simm.s32 $0x108;
	_ =	swait.ge @!p0 [sflag:s8], $0x0  }
0x24: {  	s3 =	sadd.s32 $0x88, s3;
	s6 =	simm.s32 @!p1 $0x1082;
	[sflag:s4] =	ssyncset.s32 $0xFFFFF086  }
0x25: {  	[simem:s6], [sflag:s4] =	dma.local [hbm:s3], $0xF7A  }
0x26: {  	[smem:$0x3F9B] =	sst s1;
	(tag) =	ssettag s2;
	_ =	strace s9  }
0x27: {  	s1 =	sld [smem:$0x3FAB]  }
0x28: {  	s2 =	sld [smem:$0x3FAC]  }
0x29: {  	s4 =	sld [smem:$0x3FAE]  }
0x2a: {  	p0 =	seq.s32 s5, $0x0;
	s5 =	sld [smem:$0x3FAF]  }
0x2b: {  	s6 =	sld [smem:$0x3FB0]  }
0x2c: {  	s7 =	sld [smem:$0x3FB1]  }
0x2d: {  	s3 =	simm.s32 $0x108;
	s8 =	sld [smem:$0x3FB2]  }
0x2e: {  	s3 =	simm.s32 @!p0 $0x1082;
	s9 =	sld [smem:$0x3FB3]  }
0x2f: {  	lr =	sadd.s32 s0, s3;
	s0 =	sld [smem:$0x3FAA]  }
0x30: {  	s3 =	sld [smem:$0x3FAD]  }
0x31: {  	[smem:$0x3FB6] =	sst s10  }
0x32: {  	s10 =	sld [smem:$0x3FB4];
	_ =	sdelay $0x3  }
0x33: {  	p0 =	seq.s32 s10, $0x1;
	s10 =	sld [smem:$0x3FB6];
	_ =	sdelay $0x3  }
0x34: {  	[smem:$0x3FB6] =	sst s10  }
0x35: {  	s10 =	sld [smem:$0x3FB5];
	_ =	sdelay $0x3  }
0x36: {  	p1 =	seq.s32 s10, $0x1;
	s10 =	sld [smem:$0x3FB6];
	_ =	sdelay $0x3  }
0x37: {  	[smem:$0x3FB6] =	sst s10  }
0x38: {  	s10 =	sld [smem:$0x3FB7]  }
0x39: {  	_ = 	snop;
	(pc) =	sbr.ind lr, $3  }
0x3a: {  	_ = 	snop  }
0x3b: {  	_ = 	snop  }
0x3c: {  	p2 =	seq.s32 s10, $0x1;
	s10 =	sld [smem:$0x3FB6]  }
0x3d: {  	_ =	shalt  }
0x3e: {  	_ =	shalt  }
0x3f: {  	_ =	shalt  }
0x40: {  	_ =	shalt  }
0x41: {  	_ =	shalt  }
0x42: {  	_ =	shalt  }
0x43: {  	_ =	shalt  }
0x44: {  	_ =	shalt  }
0x45: {  	_ =	shalt  }
0x46: {  	_ =	shalt  }
0x47: {  	_ =	shalt  }
0x48: {  	_ =	shalt  }
0x49: {  	_ =	shalt  }
0x4a: {  	_ =	shalt  }
0x4b: {  	_ =	shalt  }
0x4c: {  	_ =	shalt  }
0x4d: {  	_ =	shalt  }
0x4e: {  	_ =	shalt  }
0x4f: {  	_ =	shalt  }
0x50: {  	_ =	shalt  }
0x51: {  	_ =	shalt  }
0x52: {  	_ =	shalt  }
0x53: {  	_ =	shalt  }
0x54: {  	_ =	shalt  }
0x55: {  	_ =	shalt  }
0x56: {  	_ =	shalt  }
0x57: {  	_ =	shalt  }
0x58: {  	_ =	shalt  }
0x59: {  	_ =	shalt  }
0x5a: {  	_ =	shalt  }
0x5b: {  	_ =	shalt  }
0x5c: {  	_ =	shalt  }
0x5d: {  	_ =	shalt  }
0x5e: {  	_ =	shalt  }
0x5f: {  	_ =	shalt  }
0x60: {  	_ =	shalt  }
0x61: {  	_ =	shalt  }
0x62: {  	_ =	shalt  }
0x63: {  	_ =	shalt  }
0x64: {  	_ =	shalt  }
0x65: {  	_ =	shalt  }
0x66: {  	_ =	shalt  }
0x67: {  	_ =	shalt  }
0x68: {  	_ =	shalt  }
0x69: {  	_ =	shalt  }
0x6a: {  	_ =	shalt  }
0x6b: {  	_ =	shalt  }
0x6c: {  	_ =	shalt  }
0x6d: {  	_ =	shalt  }
0x6e: {  	_ =	shalt  }
0x6f: {  	_ =	shalt  }
0x70: {  	_ =	shalt  }
0x71: {  	_ =	shalt  }
0x72: {  	_ =	shalt  }
0x73: {  	_ =	shalt  }
0x74: {  	_ =	shalt  }
0x75: {  	_ =	shalt  }
0x76: {  	_ =	shalt  }
0x77: {  	_ =	shalt  }
0x78: {  	_ =	shalt  }
0x79: {  	_ =	shalt  }
0x7a: {  	_ =	shalt  }
0x7b: {  	_ =	shalt  }
0x7c: {  	_ =	shalt  }
0x7d: {  	_ =	shalt  }
0x7e: {  	_ =	shalt  }
0x7f: {  	_ =	shalt  }
0x80: {  	_ =	shalt  }
0x81: {  	_ =	shalt  }
0x82: {  	_ =	shalt  }
0x83: {  	_ =	shalt  }
0x84: {  	_ =	shalt  }
0x85: {  	_ =	shalt  }
0x86: {  	_ =	shalt  }
0x87: {  	_ =	shalt  }
.Lfunc_end0:
.L_simem_size_0:
called_computation_lowered:
.L_overlay_start_0:
0x88: {  	s2 =	sld [smem:$0x3FD9]  }
0x89: {  	s3 =	sld [smem:$0x3FFE];
	_ =	sdelay $0x1  }
0x8a: {  	s1 =	srdreg.scid  }
0x8b: {  	s0 =	sand.u32 $0x1, s1  }
0x8c: {  	s17 =	sshll.u32 s0, $0xA;
	s2 =	sadd.s32 s3, s2  }
0x8d: {  	s2 =	sadd.s32 s2, s17  }
0x8e: {  	[smem:$0x3FC2] =	sst s2  }
0x8f: {  	_ = 	snop  }
0x90: {  	s2 =	sld [smem:$0x3FD0];
	(tm) =	ssettm $0x1  }
0x91: {  	s18 =	sld [smem:$0x3FFB];
	_ =	sdelay $0x3  }
0x92: {  	_ =	strace s18  }
0x93: {  	s3 =	sld [smem:$0x3FFC];
	_ =	sdelay $0x3  }
0x94: {  	_ =	strace s3  }
0x95: {  	s3 =	sld [smem:$0x3FFD];
	_ =	sdelay $0x3  }
0x96: {  	_ =	strace s3  }
0x97: {  	_ =	strace $0x8FFFFFFF  }
0x98: {  	s19 =	sld [smem:$0x3FDB];
	_ =	sdelay $0x1  }
0x99: {  	s4 =	simm.s32 $_scs_section_size  }
0x9a: {  	s5 =	simm.s32 $_size__tile_overlayer_lowered;
	s6 =	simm.s32 $_tile_overlayer_lowered  }
0x9b: {  	s22 =	simm.s32 $0x1BFF;
	s21 =	sshll.u32 s6, $0x1;
	s3 =	sadd.s32 s4, s19  }
0x9c: {  	s7 =	simm.s32 $0x0;
	s20 =	sshll.u32 s5, $0x1;
	s5 =	sadd.s32 s21, s3  }
0x9d: {  	[timem:s7], [sflag:s22] =	dma.local [hbm:s5], s20  }
0x9e: {  	_ =	swait.ge [sflag:s22], s20  }
0x9f: {  	s4 =	ssub.s32 $0x0, s20;
	[sflag:s22] =	ssyncset.done $0x0  }
0xa0: {  	[sflag:s22] =	ssyncadd.s32 s4;
	_ =	sdelay $0x1  }
0xa1: {  	s23 =	simm.s32 $0x1B8B  }
0xa2: {  	_ =	swait.ge [sflag:s23], $0x1  }
0xa3: {  	[sflag:s23] =	ssyncset.done $0x0  }
0xa4: {  	s25 =	simm.s32 $0x1B8E;
	s24 =	sld [smem:$0x3FFE];
	[sflag:s23] =	ssyncadd.s32 $0xFFFFFFFF  }
0xa5: {  	s26 =	simm.s32 $execute0_lowered;
	[smem:$0x3FD2] =	sst s25  }
0xa6: {  	s5 =	sshll.u32 s26, $0x1;
	_ =	strace $0x80000046;
	[dreg:$0x1] =	wrdreg $0xFFFFFFFF  }
0xa7: {  	s28 =	simm.s32 $_size_execute0_lowered;
	s3 =	sadd.s32 s3, s5;
	[dreg:$0x0] =	wrdreg $0x0  }
0xa8: {  	s5 =	sshll.u32 s28, $0x1;
	[dreg:$0x2] =	wrdreg s3  }
0xa9: {  	[dreg:$0x3] =	wrdreg s5  }
0xaa: {  	[dreg:$0x4] =	wrdreg $0xC0  }
0xab: {  	_ =	task [dreg:s7], $0x5FFFF  }
0xac: {  	[dreg:$0x1] =	wrdreg $0xFFFFFFFF  }
0xad: {  	[dreg:$0x0] =	wrdreg $0x60  }
0xae: {  	[dreg:$0x2] =	wrdreg s2  }
0xaf: {  	[dreg:$0x3] =	wrdreg s24  }
0xb0: {  	[dreg:$0x4] =	wrdreg $0x9  }
0xb1: {  	_ =	task.clear_ibuf [dreg:s7], $0x5FFFF;
	_ =	strace $0x90000046  }
0xb2: {  	s29 =	simm.s32 $0x9;
	_ =	strace $0x80000048  }
0xb3: {  	_ =	swait.ge [sflag:s29], $0x1  }
0xb4: {  	[sflag:s29] =	ssyncadd.s32 $0xFFFFFFFF  }
0xb5: {  	_ =	strace $0x90000048  }
0xb6: {  	_ =	sfence  }
0xb7: {  	s30 =	sld [smem:$0x0];
	_ =	sdelay $0x2  }
0xb8: {  	s31 =	sshll.u32 s1, $0xD;
	s1 =	sshrl.u32 s1, $0x2  }
0xb9: {  	s3 =	sand.u32 $0x4000, s31;
	s1 =	sadd.s32 s1, s30  }
0xba: {  	s0 =	sor.u32 s3, s0;
	s1 =	sshll.u32 s1, $0x11  }
0xbb: {  	s0 =	sor.u32 s1, s0  }
0xbc: {  	s0 =	sadd.s32 $0x8F2B, s0  }
0xbd: {  	[sflag:s0] =	ssyncadd.remote.s32 $0x1  }
0xbe: {  	_ =	sfence.sel $0xFFFF  }
0xbf: {  	[dreg:$0x0] =	wrdreg $0xFFFFFFFF;
	(pc) =	sbr.abs _section_cstart, $3  }
0xc0: {  	[dreg:$0x1] =	wrdreg $0xFFFFFFFF  }
0xc1: {  	_ =	task.clear_ibuf [dreg:s7], $0x2FFFF;
	_ =	strace $0x9FFFFFFF  }
0xc2: {  	(tm) =	ssettm $0x7FFFFFFF  }
0xc3: {  	_ =	shalt  }
tec
execute0_lowered:
.L_overlay_start_1:
0x0: {  	(tag) =	ssettag $0x1  }
0x1: {  	s1 =	rddreg [dreg:$0x0]  }
0x2: {  	s4 =	rddreg [dreg:$0x1]  }
0x3: {  	s0 =	rddreg [dreg:$0x2]  }
0x4: {  	s3 =	simm.s32 $0x0;
	s2 =	stileid.u32;
	s5 =	srdreg.scid  }
0x5: {  	[smem:$0x7FF] =	sst s3;
	s6 =	sshll.u32 s2, $0x1;
	s5 =	sand.u32 $0x1, s5  }
0x6: {  	s7 =	sshrl.u32 s2, $0x1;
	s4 =	sadd.s32 $0xC00, s4;
	_ =	strace $0x80000047  }
0x7: {  	s6 =	sand.u32 $0x2, s6;
	s8 =	ssub.s32 $0x2, s5;
	s26 =	smul.u32 $0x1189, s7  }
0x8: {  	s12 =	sor.u32 $0x88, s7;
	s13 =	smul.u32 $0x2400, s7;
	s14 =	sor.u32 $0x90, s7  }
0x9: {  	s15 =	smul.u32 $0xC9, s7;
	s28 =	sor.u32 $0x98, s7;
	s30 =	sor.u32 $0x48, s7  }
0xa: {  	v6 =	vmov s7;
	s7 =	simm.s32 $0x1;
	s5 =	sor.u32 s5, s6;
	s9 =	sshrl.u32 s8, $0x1  }
0xb: {  	s10 =	smul.u32 $0x430, s5;
	s8 =	ssub.s32 s8, s9;
	p0 =	seq.s32 s5, $0x3  }
0xc: {  	s9 =	simm.s32 $0x4F8;
	s11 =	sshll.u32 s5, $0x4;
	s5 =	sshll.u32 s5, $0xB  }
0xd: {  	v0 =	vlaneseq.u32;
	v1 =	vmov s12;
	v2 =	vmov s14;
	s29 =	sshrl.u32 s13, $0x3;
	s9 =	simm.s32 @!p0 $0x42F;
	s5 =	sadd.s32 s13, s5  }
0xe: {  	v3 =	vmov s28;
	v7 =	vmov s15;
	v5 =	vmov s26;
	s31 =	sadd.s32 s4, s29;
	s6 =	smax.u32 s8, $0x1;
	s10 =	sadd.s32 s26, s10  }
0xf: {  	v8 =	vadd.s32 $0xA0, v7;
	v7 =	vmov s30;
	v9 =	vmov s11;
	s8 =	simm.s32 $0x700;
	s5 =	sshrl.u32 s5, $0x3;
	s9 =	sadd.s32 s10, s9  }
0x10: {  	v8 =	vbroadcast v8, $0x0;
	v0 =	vadd.s32 s10, v0;
	s4 =	sadd.s32 s4, s5;
	s5 =	sadd.s32 $0x300, s31;
	v4 =	vmov s9;
	s9 =	simm.s32 $0x0  }
.LBB2_1:
0x11: {  	s10 =	simm.s32 $0x10  }
0x12: {  	s11 =	simm.s32 $0x0;
	v10 =	vadd.s32 s10, v0  }
0x13: {  	v11 =	vadd.s32 s11, v0;
	vm0 =	vlt.s32 v10, v4  }
0x14: {  	vm1 =	vlt.s32 v11, v4;
	v10 =	vsel vm0, v10, v4  }
0x15: {  	v11 =	vsel vm1, v11, v4;
	v12 =	vsub.s32 v10, v5  }
0x16: {  	v13 =	vsub.s32 v11, v5;
	v10 =	vmul.u32 $0xF49, v12  }
0x17: {  	v11 =	vmul.u32 $0xF49, v13  }
0x18: {  	v10 =	vshra.s32 v10, $0x12  }
0x19: {  	v15 =	vshra.s32 v11, $0x12;
	v11 =	vmul.u32 $0xFFFFFFBD, v10;
	v14 =	vadd.s32 $0xFFFFFFFD, v10  }
0x1a: {  	v16 =	vmul.u32 $0xFFFFFFBD, v15;
	vm2 =	vlt.s32 v10, $0x3;
	v18 =	vadd.s32 $0xFFFFFFFD, v15  }
0x1b: {  	vm3 =	vlt.s32 v15, $0x3;
	v57 =	vsub.s32 v10, v9;
	v17 =	vshra.s32 v14, $0x3  }
0x1c: {  	v14 =	vand.u32 $0x7, v14;
	v21 =	vshra.s32 v18, $0x3;
	v18 =	vand.u32 $0x7, v18  }
0x1d: {  	v11 =	vadd.s32 v12, v11;
	v12 =	vsub.s32 v17, v14;
	v13 =	vadd.s32 v13, v16  }
0x1e: {  	v58 =	vsub.s32 v21, v18;
	v16 =	vadd.s32 $0xFFFFFFFD, v11;
	v19 =	vadd.s32 $0xFFFFFFFD, v13  }
0x1f: {  	vm0 =	vgt.s32 v11, $0x2;
	vm1 =	vgt.s32 v13, $0x2;
	v22 =	vshra.s32 v19, $0x3  }
0x20: {  	v34 =	vsel vm2, v11, v10;
	v19 =	vand.u32 $0x7, v19;
	v23 =	vsub.s32 v21, v22  }
0x21: {  	v54 =	vsel vm3, v13, v15;
	v25 =	vsub.s32 v18, v19;
	v24 =	vsub.s32 $0x0, v23  }
0x22: {  	v62 =	vand.u32 $0xFFFFFF80, v13;
	v52 =	vsub.s32 $0x0, v25;
	v23 =	vmin.u32 v23, v24  }
0x23: {  	v20 =	vshra.s32 v16, $0x3;
	v24 =	vmin.u32 v25, v52;
	v53 =	vshll.u32 v23, $0x3  }
0x24: {  	[tilespmem:s3], [sflag:$0x1] =	stream.linear.gather [hbm4b:s1+s3], $0x700, $0x38;
	v16 =	vand.u32 $0x7, v16;
	v29 =	vshll.u32 v24, $0x3;
	v25 =	vor.u32 v6, v53;
	[tilespmem:$0x1300] =	vst v63  }
0x25: {  	_ =	swait.ge [sflag:s7], $0x700;
	v31 =	vsel vm0, $0x2, v11;
	v26 =	vsub.s32 v17, v20;
	v29 =	vadd.s32 v7, v29  }
0x26: {  	[sflag:s7] =	ssyncset.done $0x0;
	v33 =	vsel vm1, $0x2, v13;
	v27 =	vsub.s32 v14, v16;
	v28 =	vsub.s32 $0x0, v26  }
0x27: {  	[sflag:s7] =	ssyncadd.s32 $0xFFFFF900;
	v13 =	vand.u32 $0x7F, v13;
	v30 =	vsub.s32 $0x0, v27;
	v26 =	vmin.u32 v26, v28  }
0x28: {  	v56 =	vld.idx.msk [tilespmem:v2+s3+$0x0], $0xffff;
	v31 =	vsel vm2, v10, v31;
	v27 =	vmin.u32 v27, v30;
	v28 =	vshll.u32 v26, $0x3  }
0x29: {  	v32 =	vsub.s32 v20, v16;
	v30 =	vshll.u32 v27, $0x3;
	v28 =	vor.u32 v6, v28;
	v25 =	vld.idx.msk [tilespmem:v25+s3+$0x0], $0xffff  }
0x2a: {  	v33 =	vsel vm3, v15, v33;
	v16 =	vadd.s32 v16, v20;
	v30 =	vadd.s32 v7, v30;
	v29 =	vld.idx.msk [tilespmem:v29+s3+$0x0], $0xffff  }
0x2b: {  	v20 =	vld.idx.msk [tilespmem:v1+s3+$0x0], $0xffff;
	v14 =	vadd.s32 v14, v17;
	v59 =	vsub.s32 v22, v19;
	v33 =	vmul.u32 $0x43, v33  }
0x2c: {  	v18 =	vadd.s32 v18, v21;
	vm2 =	veq.s32 v12, v32;
	v32 =	vadd.s32 v54, v8  }
0x2d: {  	v60 =	vld.idx.msk [tilespmem:v3+s3+$0x0], $0xffff;
	v19 =	vadd.s32 v19, v22;
	v31 =	vmul.u32 $0x43, v31;
	v55 =	vadd.s32 v33, v32  }
0x2e: {  	v12 =	vadd.s32 v34, v8;
	vm3 =	veq.s32 v14, v16;
	v14 =	vsub.s32 v15, v9;
	v17 =	vld.idx.msk [tilespmem:v28+s3+$0x0], $0xffff  }
0x2f: {  	vm4 =	veq.s32 v58, v59;
	vm14 =	veq.s32 v18, v19;
	v30 =	vld.idx.msk [tilespmem:v30+s3+$0x0], $0xffff;
	v25 =	vadd.f32 v29, v25  }
0x30: {  	v14 =	vshll.u32 v14, $0x7;
	v63 =	vnsel vm14, $0x0, v56;
	v61 =	vnsel vm4, $0x0, v20  }
0x31: {  	v31 =	vadd.s32 v31, v12;
	v18 =	vmul.u32 v24, v23;
	v21 =	vadd.f32 v61, v25  }
0x32: {  	v16 =	vmul.u32 v27, v26;
	v12 =	vand.u32 $0xFFFFFF80, v11;
	v14 =	vadd.s32 v14, v62;
	v19 =	vld.idx.msk [tilespmem:v55+s3+$0x0], $0xffff  }
0x33: {  	v14 =	vor.u32 v13, v14;
	vm15 =	veq.s32 v18, $0x2;
	v21 =	vadd.f32 v63, v21  }
0x34: {  	v18 =	vnsel vm2, $0x0, v20;
	v13 =	vnsel vm15, $0x0, v60;
	v17 =	vadd.f32 v30, v17  }
0x35: {  	vm2 =	vgt.s32 v15, $0x2;
	v15 =	vnsel vm3, $0x0, v56;
	v20 =	vadd.f32 v13, v21  }
0x36: {  	vm1 =	vmand vm2, vm1;
	vm2 =	veq.s32 v16, $0x2;
	v17 =	vadd.f32 v17, v18  }
0x37: {  	s10 =	simm.s32 $0x0;
	s11 =	simm.s32 $0x30;
	v16 =	vnsel vm2, $0x0, v60;
	v13 =	vld.idx.msk [tilespmem:v31+s3+$0x0], $0xffff;
	v18 =	vsel vm1, v20, v19;
	v19 =	vshll.u32 v57, $0x7  }
.LBB2_2:
0x38: {  	s12 =	sadd.s32 $0xFFFFFFF0, s11;
	v20 =	vadd.s32 s11, v0;
	[tilespmem:v14+s8+$0x0] =	vst.idx.msk $0xffff, v18;
	v14 =	vadd.f32 v17, v15;
	vm1 =	vgt.s32 v10, $0x2  }
0x39: {  	s10 =	sadd.s32 $0x2, s10;
	v12 =	vadd.s32 v19, v12;
	v10 =	vadd.s32 s12, v0;
	vm2 =	vlt.s32 v20, v4  }
0x3a: {  	p1 =	slt.u32 s10, $0x4E;
	vm3 =	vlt.s32 v10, v4;
	v15 =	vsel vm2, v20, v4;
	v14 =	vadd.f32 v14, v16  }
0x3b: {  	v11 =	vand.u32 $0x7F, v11;
	v10 =	vsel vm3, v10, v4;
	v15 =	vsub.s32 v15, v5  }
0x3c: {  	vm0 =	vmand vm1, vm0;
	v16 =	vsub.s32 v10, v5;
	v10 =	vmul.u32 $0xF49, v15  }
0x3d: {  	v12 =	vor.u32 v11, v12;
	v13 =	vsel vm0, v14, v13;
	v17 =	vmul.u32 $0xF49, v16  }
0x3e: {  	v10 =	vshra.s32 v10, $0x12  }
0x3f: {  	v17 =	vshra.s32 v17, $0x12;
	v11 =	vmul.u32 $0xFFFFFFBD, v10;
	v14 =	vadd.s32 $0xFFFFFFFD, v10  }
0x40: {  	v18 =	vmul.u32 $0xFFFFFFBD, v17;
	v19 =	vshra.s32 v14, $0x3;
	v14 =	vand.u32 $0x7, v14  }
0x41: {  	vm2 =	vlt.s32 v10, $0x3;
	v11 =	vadd.s32 v15, v11;
	v15 =	vsub.s32 v19, v14  }
0x42: {  	v16 =	vadd.s32 v16, v18;
	v18 =	vadd.s32 $0xFFFFFFFD, v11;
	vm0 =	vgt.s32 v11, $0x2;
	[tilespmem:v12+s8+$0x0] =	vst.idx.msk $0xffff, v13  }
0x43: {  	v12 =	vadd.s32 $0xFFFFFFFD, v17;
	v13 =	vadd.s32 $0xFFFFFFFD, v16;
	v20 =	vshra.s32 v18, $0x3  }
0x44: {  	v21 =	vshra.s32 v12, $0x3;
	v18 =	vand.u32 $0x7, v18;
	v22 =	vshra.s32 v13, $0x3  }
0x45: {  	v23 =	vand.u32 $0x7, v12;
	v13 =	vand.u32 $0x7, v13;
	v12 =	vsub.s32 v21, v22  }
0x46: {  	v26 =	vsub.s32 v19, v20;
	v25 =	vsub.s32 v23, v13;
	v24 =	vsub.s32 $0x0, v12  }
0x47: {  	v27 =	vsub.s32 v14, v18;
	v24 =	vmin.u32 v12, v24;
	v12 =	vsub.s32 $0x0, v25  }
0x48: {  	v28 =	vsub.s32 $0x0, v26;
	v25 =	vmin.u32 v25, v12;
	v12 =	vshll.u32 v24, $0x3  }
0x49: {  	v30 =	vsub.s32 $0x0, v27;
	v12 =	vor.u32 v6, v12;
	v29 =	vshll.u32 v25, $0x3  }
0x4a: {  	v26 =	vmin.u32 v26, v28;
	v27 =	vmin.u32 v27, v30;
	v29 =	vadd.s32 v7, v29  }
0x4b: {  	v31 =	vsel vm0, $0x2, v11;
	v28 =	vshll.u32 v26, $0x3;
	v30 =	vshll.u32 v27, $0x3  }
0x4c: {  	v31 =	vsel vm2, v10, v31;
	v28 =	vor.u32 v6, v28;
	v30 =	vadd.s32 v7, v30  }
0x4d: {  	vm1 =	vgt.s32 v16, $0x2;
	v32 =	vsub.s32 v20, v18;
	v31 =	vmul.u32 $0x43, v31  }
0x4e: {  	vm3 =	vlt.s32 v17, $0x3;
	v34 =	vsel vm2, v11, v10;
	v33 =	vld.idx.msk [tilespmem:v12+s3+$0x0], $0xffff;
	v12 =	vsel vm1, $0x2, v16  }
0x4f: {  	vm2 =	veq.s32 v15, v32;
	v15 =	vadd.s32 v34, v8;
	v29 =	vld.idx.msk [tilespmem:v29+s3+$0x0], $0xffff;
	v12 =	vsel vm3, v17, v12  }
0x50: {  	v18 =	vadd.s32 v18, v20;
	v34 =	vsel vm3, v16, v17;
	v32 =	vld.idx.msk [tilespmem:v1+s3+$0x0], $0xffff;
	v12 =	vmul.u32 $0x43, v12  }
0x51: {  	v14 =	vadd.s32 v14, v19;
	v20 =	vadd.s32 v34, v8;
	v15 =	vadd.s32 v31, v15;
	v28 =	vld.idx.msk [tilespmem:v28+s3+$0x0], $0xffff  }
0x52: {  	vm3 =	veq.s32 v14, v18;
	v18 =	vmul.u32 v27, v26;
	v19 =	vld.idx.msk [tilespmem:v2+s3+$0x0], $0xffff;
	v20 =	vadd.s32 v12, v20  }
0x53: {  	v14 =	vsub.s32 v17, v9;
	v27 =	vsub.s32 v10, v9;
	v12 =	vand.u32 $0xFFFFFF80, v11;
	v26 =	vld.idx.msk [tilespmem:v30+s3+$0x0], $0xffff  }
0x54: {  	v31 =	vsub.s32 v22, v13;
	v14 =	vshll.u32 v14, $0x7;
	v30 =	vsub.s32 v21, v23;
	v34 =	vld.idx.msk [tilespmem:v3+s3+$0x0], $0xffff  }
0x55: {  	v21 =	vadd.s32 v23, v21;
	v29 =	vadd.f32 v29, v33;
	vm4 =	veq.s32 v30, v31  }
0x56: {  	v22 =	vadd.s32 v13, v22;
	v30 =	vand.u32 $0xFFFFFF80, v16;
	v23 =	vnsel vm4, $0x0, v32;
	v13 =	vld.idx.msk [tilespmem:v15+s3+$0x0], $0xffff  }
0x57: {  	vm4 =	veq.s32 v21, v22;
	v21 =	vmul.u32 v25, v24;
	v15 =	vadd.f32 v23, v29;
	v20 =	vld.idx.msk [tilespmem:v20+s3+$0x0], $0xffff  }
0x58: {  	v16 =	vand.u32 $0x7F, v16;
	v14 =	vadd.s32 v14, v30;
	v22 =	vnsel vm4, $0x0, v19  }
.Ltmp0:
0x59: {  	v14 =	vor.u32 v16, v14;
	vm4 =	veq.s32 v21, $0x2;
	v15 =	vadd.f32 v22, v15;
	(pc) =	sbr.rel @p1 .LBB2_2-.Ltmp0, $4  }
0x5a: {  	v21 =	vadd.f32 v26, v28;
	v22 =	vnsel vm2, $0x0, v32;
	v16 =	vnsel vm4, $0x0, v34  }
0x5b: {  	vm2 =	vgt.s32 v17, $0x2;
	v16 =	vadd.f32 v16, v15;
	v15 =	vnsel vm3, $0x0, v19  }
0x5c: {  	vm1 =	vmand vm2, vm1;
	vm2 =	veq.s32 v18, $0x2;
	v17 =	vadd.f32 v21, v22  }
0x5d: {  	s11 =	sadd.s32 $0x20, s11;
	v19 =	vshll.u32 v27, $0x7;
	v18 =	vsel vm1, v16, v20;
	v16 =	vnsel vm2, $0x0, v34  }
0x5e: {  	v12 =	vadd.s32 v19, v12;
	v11 =	vand.u32 $0x7F, v11  }
0x5f: {  	v15 =	vadd.f32 v17, v15;
	v11 =	vor.u32 v11, v12;
	_ =	sdelay $0x1  }
0x60: {  	vm1 =	vgt.s32 v10, $0x2;
	v10 =	vadd.f32 v15, v16  }
0x61: {  	vm0 =	vmand vm1, vm0  }
0x62: {  	[tilespmem:v14+s8+$0x0] =	vst.idx.msk $0xffff, v18;
	v10 =	vsel vm0, v10, v13  }
0x63: {  	s10 =	simm.s32 @p0 $0x0;
	s11 =	simm.s32 @p0 $0x700;
	[tilespmem:v11+s8+$0x0] =	vst.idx.msk $0xffff, v10  }
0x64: {  	[hbm4b:s5+s10] =	stream.linear.scatter @p0 [tilespmem:s11], [sflag:$0x1], $0x980, $0x38;
	[tilespmem:$0x1300] =	vst v63  }
0x65: {  	s10 =	simm.s32 @p0 $0x1  }
0x66: {  	s9 =	sadd.s32 $0x1, s9;
	_ =	swait.ge @p0 [sflag:s10], $0x980  }
0x67: {  	p1 =	sne.s32 s9, s6;
	[sflag:s10] =	ssyncset.done @p0 $0x0  }
0x68: {  	s11 =	simm.s32 @!p0 $0x700;
	[sflag:s10] =	ssyncadd.s32 @p0 $0xFFFFF680;
	s10 =	simm.s32 @!p0 $0x0  }
0x69: {  	[hbm4b:s4+s10] =	stream.linear.scatter @!p0 [tilespmem:s11], [sflag:$0x1], $0x800, $0x38;
	[tilespmem:$0x1300] =	vst v63  }
.Ltmp1:
0x6a: {  	_ = 	snop;
	(pc) =	sbr.rel @p1 .LBB2_1-.Ltmp1, $4  }
0x6b: {  	s10 =	simm.s32 @!p0 $0x1  }
0x6c: {  	_ =	swait.ge @!p0 [sflag:s10], $0x800  }
0x6d: {  	[sflag:s10] =	ssyncset.done @!p0 $0x0  }
0x6e: {  	[sflag:s10] =	ssyncadd.s32 @!p0 $0xFFFFF800  }
0x6f: {  	_ =	sfence.sel $0x180000  }
0x70: {  	[bflag:$0x0] =	sbarrier.arrive $0xFFFF  }
0x71: {  	p0 =	sne.s32 s2, $0x0;
	_ =	strace $0x90000047  }
0x72: {  	s0 =	sadd.s32 @!p0 $0x100000, s0;
	[bflag:$0x2] =	sbarrier.arrive $0xFFFF  }
0x73: {  	[sflag:s0] =	ssyncadd.tile.s32 @!p0 $0x1;
	_ =	shalt  }
.Lfunc_end2:
_tile_overlayer_lowered:
.L_overlay_start_2:
0x74: {  	(tag) =	ssettag $0x2  }
0x75: {  	s0 =	rddreg [dreg:$0x0];
	s2 =	stileid.u32  }
0x76: {  	s1 =	rddreg [dreg:$0x1];
	p0 =	sne.s32 s2, $0x0  }
0x77: {  	s3 =	rddreg [dreg:$0x2];
	[bflag:$0x3] =	sbarrier.arrive $0xFFFF;
	s2 =	simm.s32 @!p0 $0x1C01  }
0x78: {  	[timem:s3], [sflag:s2] =	dma.local @!p0 [hbm:s0], s1  }
0x79: {  	s0 =	simm.s32 @!p0 $0x1  }
0x7a: {  	_ =	swait.ge @!p0 [sflag:s0], s1  }
0x7b: {  	s1 =	ssub.s32 @!p0 $0x0, s1;
	[sflag:s0] =	ssyncset.done @!p0 $0x0  }
0x7c: {  	[sflag:s0] =	ssyncadd.s32 @!p0 s1  }
0x7d: {  	[bflag:$0x3] =	sbarrier.arrive $0xFFFF  }
0x7e: {  	_ =	shalt  }

</sc_bundles>
